<compile_context>
chip_gen: v7x
topology: tpu7x:2x2x1
jax: 0.10.2.dev20260603
libtpu: 0.0.44.dev20260713+nightly
codegen_flags: <defaults>
</compile_context>

<pallas_src>
import functools

import jax
import jax.numpy as jnp
from jax import lax
from jax.experimental import pallas as pl
from jax.experimental.pallas import tpu as pltpu
from jax.experimental.pallas import tpu_sc as plsc

_CHUNK = 128


@functools.lru_cache(maxsize=None)
def _make_gather(B, V, D, nc, ns):
    nw = nc * ns
    b_per_w = B // nw
    n_chunks = b_per_w // _CHUNK
    n_half = n_chunks // 2
    half_rows = n_half * _CHUNK
    mesh = plsc.VectorSubcoreMesh(core_axis_name="c", subcore_axis_name="s")

    @functools.partial(
        pl.kernel,
        out_type=jax.ShapeDtypeStruct((B, D), jnp.float32),
        mesh=mesh,
        scratch_types=[
            pltpu.VMEM((n_chunks, _CHUNK), jnp.int32),
            pltpu.VMEM((b_per_w, D), jnp.float32),
            pltpu.SemaphoreType.DMA((2,)),
            pltpu.SemaphoreType.DMA((2,)),
            pltpu.SemaphoreType.DMA,
        ],
    )
    def gather_kernel(idx_hbm, table_hbm, out_hbm, idx_v, rows_v, isem, gsem,
                      ssem):
        wid = lax.axis_index("s") * nc + lax.axis_index("c")
        base = wid * b_per_w
        idx_cp = [
            pltpu.async_copy(
                idx_hbm.at[wid, pl.ds(h * n_half, n_half)],
                idx_v.at[pl.ds(h * n_half, n_half)],
                isem.at[h],
            )
            for h in range(2)
        ]
        gathers = []
        for h in range(2):
            idx_cp[h].wait()
            gathers.append([
                pltpu.async_copy(
                    table_hbm.at[idx_v.at[h * n_half + j]],
                    rows_v.at[pl.ds((h * n_half + j) * _CHUNK, _CHUNK)],
                    gsem.at[h],
                )
                for j in range(n_half)
            ])
        stores = []
        for h in range(2):
            for g in gathers[h]:
                g.wait()
            stores.append(
                pltpu.async_copy(
                    rows_v.at[pl.ds(h * half_rows, half_rows)],
                    out_hbm.at[pl.ds(base + h * half_rows, half_rows)],
                    ssem,
                )
            )
        for s in stores:
            s.wait()

    return gather_kernel


def kernel(indices, table):
    (B,) = indices.shape
    V, D = table.shape
    info = plsc.get_sparse_core_info()
    nc, ns = info.num_cores, info.num_subcores
    nw = nc * ns
    b_per_w = B // nw
    idx = indices.astype(jnp.int32).reshape(nw, b_per_w // _CHUNK, _CHUNK)
    return _make_gather(B, V, D, nc, ns)(idx, table)

# --- scband reference (transcript-rebuilt; emitter-appended) ---
"""Pipeline reference for scband-precomputed-embedding-66511863545898 (READ-ONLY COPY).

The authoritative reference and input builder live on the scoring server;
editing this copy changes nothing except your own understanding.
"""

import jax, jax.numpy as jnp
import numpy as np

VOCAB = 1000000
EMBED_DIM = 128
BATCH = 16384


def setup_inputs(seed: int = 0) -> dict:
    key = jax.random.key(seed)
    k1, k2 = jax.random.split(key)
    # Precomputed embedding table (stands in for the pickled BERT embeddings loaded in _load_embeddings)
    table = jax.random.normal(k1, (VOCAB, EMBED_DIM), dtype=jnp.float32)
    # Row indices. In the original layer, each sample is mapped to a row of the
    # precomputed embedding matrix via a global row counter modulo table size.
    # We model that counter stream as integer row ids per sample.
    indices = jax.random.randint(k2, (BATCH,), 0, VOCAB, dtype=jnp.int64)
    return {"indices": indices, "table": table}


def reference(indices, table):
    # Faithful core of PrecomputedEmbedding.call:
    #   embedding_idx = global_row_idx % dataset_embs.shape[0]
    #   out[i] = dataset_embs[embedding_idx]
    # i.e. a modular gather from the precomputed table. Unknown datasets would
    # map to the zero vector; here all indices resolve into the loaded table.
    safe_idx = jnp.mod(indices, table.shape[0])
    out = jnp.take(table, safe_idx, axis=0)
    return out

if __name__ == "__main__":
    import jax
    _d = setup_inputs()
    print(jax.jit(kernel)(*tuple(_d.values())))

</pallas_src>

<mosaic_0001>
#map = affine_map<(d0, d1) -> (0, 0, 0)>
#map1 = affine_map<(d0, d1) -> (0, 0)>
module attributes {stable_mosaic.version = 14 : i64} {
  func.func @gather_kernel(%arg0: i32, %arg1: i32, %arg2: memref<32x4x128xi32, #tpu.memory_space<hbm>>, %arg3: memref<1000000x128xf32, #tpu.memory_space<hbm>>, %arg4: memref<16384x128xf32, #tpu.memory_space<hbm>>, %arg5: memref<4x128xi32, #tpu.memory_space<vmem>>, %arg6: memref<512x128xf32, #tpu.memory_space<vmem>>, %arg7: memref<2x!tpu.dma_semaphore, #tpu.memory_space<semaphore_mem>>, %arg8: memref<2x!tpu.dma_semaphore, #tpu.memory_space<semaphore_mem>>, %arg9: memref<!tpu.dma_semaphore, #tpu.memory_space<semaphore_mem>>) attributes {dimension_semantics = [#tpu.dimension_semantics<core_parallel>, #tpu.dimension_semantics<subcore_parallel>], iteration_bounds = array<i64: 2, 16>, scalar_prefetch = 0 : i64, scratch_operands = 5 : i64, tpu.core_type = #tpu.core_type<sc_vector_subcore>, window_params = [{transform_indices = #map}, {transform_indices = #map1}, {transform_indices = #map1}]} {
    %mul3A = arith.constant 2 : i32
    %mul3A_0 = arith.muli %arg1, %mul3A : i32
    %add3A = arith.addi %mul3A_0, %arg0 : i32
    %mul3A_1 = arith.constant 512 : i32
    %mul3A_2 = arith.muli %add3A, %mul3A_1 : i32
    %dma_start3A = arith.constant 0 : i32
    %dma_start3A_3 = arith.constant 0 : i32
    %dma_start3A_4 = arith.constant 0 : i32
    %dma_start3A_5 = tpu.memref_slice %arg5[%dma_start3A_3, %dma_start3A_4] : memref<4x128xi32, #tpu.memory_space<vmem>> -> memref<2x128xi32, #tpu.memory_space<vmem>>
    %dma_start3A_6 = arith.constant 0 : i32
    %dma_start3A_7 = arith.constant 0 : i32
    %dma_start3A_8 = tpu.memref_slice %arg2[%add3A, %dma_start3A_6, %dma_start3A_7] : memref<32x4x128xi32, #tpu.memory_space<hbm>> -> memref<1x2x128xi32, #tpu.memory_space<hbm>>
    %dma_start3A_9 = tpu.memref_squeeze %dma_start3A_8 : memref<1x2x128xi32, #tpu.memory_space<hbm>> -> memref<2x128xi32, #tpu.memory_space<hbm>>
    %dma_start3A_10 = tpu.memref_slice %arg7[%dma_start3A] : memref<2x!tpu.dma_semaphore, #tpu.memory_space<semaphore_mem>> -> memref<1x!tpu.dma_semaphore, #tpu.memory_space<semaphore_mem>>
    %dma_start3A_11 = tpu.memref_squeeze %dma_start3A_10 : memref<1x!tpu.dma_semaphore, #tpu.memory_space<semaphore_mem>> -> memref<!tpu.dma_semaphore, #tpu.memory_space<semaphore_mem>>
    %dma_start3A_12 = arith.constant 0 : i32
    %dma_start3A_13 = arith.constant 0 : i32
    %dma_start3A_14 = tpu.memref_slice %arg5[%dma_start3A_12, %dma_start3A_13] : memref<4x128xi32, #tpu.memory_space<vmem>> -> memref<2x128xi32, #tpu.memory_space<vmem>>
    %dma_start3A_15 = arith.constant 0 : i32
    %dma_start3A_16 = arith.constant 0 : i32
    %dma_start3A_17 = tpu.memref_slice %arg2[%add3A, %dma_start3A_15, %dma_start3A_16] : memref<32x4x128xi32, #tpu.memory_space<hbm>> -> memref<1x2x128xi32, #tpu.memory_space<hbm>>
    %dma_start3A_18 = tpu.memref_squeeze %dma_start3A_17 : memref<1x2x128xi32, #tpu.memory_space<hbm>> -> memref<2x128xi32, #tpu.memory_space<hbm>>
    tpu.enqueue_dma source(%dma_start3A_18 : memref<2x128xi32, #tpu.memory_space<hbm>>) target(%dma_start3A_14 : memref<2x128xi32, #tpu.memory_space<vmem>>) target_semaphore(%dma_start3A_11 : memref<!tpu.dma_semaphore, #tpu.memory_space<semaphore_mem>>)
    %dma_start3A_19 = arith.constant 1 : i32
    %dma_start3A_20 = arith.constant 2 : i32
    %dma_start3A_21 = arith.constant 0 : i32
    %dma_start3A_22 = tpu.memref_slice %arg5[%dma_start3A_20, %dma_start3A_21] : memref<4x128xi32, #tpu.memory_space<vmem>> -> memref<2x128xi32, #tpu.memory_space<vmem>>
    %dma_start3A_23 = arith.constant 2 : i32
    %dma_start3A_24 = arith.constant 0 : i32
    %dma_start3A_25 = tpu.memref_slice %arg2[%add3A, %dma_start3A_23, %dma_start3A_24] : memref<32x4x128xi32, #tpu.memory_space<hbm>> -> memref<1x2x128xi32, #tpu.memory_space<hbm>>
    %dma_start3A_26 = tpu.memref_squeeze %dma_start3A_25 : memref<1x2x128xi32, #tpu.memory_space<hbm>> -> memref<2x128xi32, #tpu.memory_space<hbm>>
    %dma_start3A_27 = tpu.memref_slice %arg7[%dma_start3A_19] : memref<2x!tpu.dma_semaphore, #tpu.memory_space<semaphore_mem>> -> memref<1x!tpu.dma_semaphore, #tpu.memory_space<semaphore_mem>>
    %dma_start3A_28 = tpu.memref_squeeze %dma_start3A_27 : memref<1x!tpu.dma_semaphore, #tpu.memory_space<semaphore_mem>> -> memref<!tpu.dma_semaphore, #tpu.memory_space<semaphore_mem>>
    %dma_start3A_29 = arith.constant 2 : i32
    %dma_start3A_30 = arith.constant 0 : i32
    %dma_start3A_31 = tpu.memref_slice %arg5[%dma_start3A_29, %dma_start3A_30] : memref<4x128xi32, #tpu.memory_space<vmem>> -> memref<2x128xi32, #tpu.memory_space<vmem>>
    %dma_start3A_32 = arith.constant 2 : i32
    %dma_start3A_33 = arith.constant 0 : i32
    %dma_start3A_34 = tpu.memref_slice %arg2[%add3A, %dma_start3A_32, %dma_start3A_33] : memref<32x4x128xi32, #tpu.memory_space<hbm>> -> memref<1x2x128xi32, #tpu.memory_space<hbm>>
    %dma_start3A_35 = tpu.memref_squeeze %dma_start3A_34 : memref<1x2x128xi32, #tpu.memory_space<hbm>> -> memref<2x128xi32, #tpu.memory_space<hbm>>
    tpu.enqueue_dma source(%dma_start3A_35 : memref<2x128xi32, #tpu.memory_space<hbm>>) target(%dma_start3A_31 : memref<2x128xi32, #tpu.memory_space<vmem>>) target_semaphore(%dma_start3A_28 : memref<!tpu.dma_semaphore, #tpu.memory_space<semaphore_mem>>)
    %dma_wait3A = arith.constant 0 : i32
    %dma_wait3A_36 = arith.constant 0 : i32
    %dma_wait3A_37 = arith.constant 0 : i32
    %dma_wait3A_38 = tpu.memref_slice %arg5[%dma_wait3A_36, %dma_wait3A_37] : memref<4x128xi32, #tpu.memory_space<vmem>> -> memref<2x128xi32, #tpu.memory_space<vmem>>
    %dma_wait3A_39 = arith.constant 0 : i32
    %dma_wait3A_40 = arith.constant 0 : i32
    %dma_wait3A_41 = tpu.memref_slice %arg2[%add3A, %dma_wait3A_39, %dma_wait3A_40] : memref<32x4x128xi32, #tpu.memory_space<hbm>> -> memref<1x2x128xi32, #tpu.memory_space<hbm>>
    %dma_wait3A_42 = tpu.memref_squeeze %dma_wait3A_41 : memref<1x2x128xi32, #tpu.memory_space<hbm>> -> memref<2x128xi32, #tpu.memory_space<hbm>>
    %dma_wait3A_43 = tpu.memref_slice %arg7[%dma_wait3A] : memref<2x!tpu.dma_semaphore, #tpu.memory_space<semaphore_mem>> -> memref<1x!tpu.dma_semaphore, #tpu.memory_space<semaphore_mem>>
    %dma_wait3A_44 = tpu.memref_squeeze %dma_wait3A_43 : memref<1x!tpu.dma_semaphore, #tpu.memory_space<semaphore_mem>> -> memref<!tpu.dma_semaphore, #tpu.memory_space<semaphore_mem>>
    %dma_wait3A_45 = arith.constant 0 : i32
    %dma_wait3A_46 = arith.constant 0 : i32
    %dma_wait3A_47 = tpu.memref_slice %arg5[%dma_wait3A_45, %dma_wait3A_46] : memref<4x128xi32, #tpu.memory_space<vmem>> -> memref<2x128xi32, #tpu.memory_space<vmem>>
    %dma_wait3A_48 = arith.constant 0 : i32
    %dma_wait3A_49 = arith.constant 0 : i32
    %dma_wait3A_50 = tpu.memref_slice %arg2[%add3A, %dma_wait3A_48, %dma_wait3A_49] : memref<32x4x128xi32, #tpu.memory_space<hbm>> -> memref<1x2x128xi32, #tpu.memory_space<hbm>>
    %dma_wait3A_51 = tpu.memref_squeeze %dma_wait3A_50 : memref<1x2x128xi32, #tpu.memory_space<hbm>> -> memref<2x128xi32, #tpu.memory_space<hbm>>
    tpu.wait_dma2 semaphore(%dma_wait3A_44 : memref<!tpu.dma_semaphore, #tpu.memory_space<semaphore_mem>>) src(%dma_wait3A_51 : memref<2x128xi32, #tpu.memory_space<hbm>>) dst(%dma_wait3A_47 : memref<2x128xi32, #tpu.memory_space<vmem>>)
    %dma_start3A_52 = arith.constant 0 : i32
    %dma_start3A_53 = arith.constant 0 : i32
    %dma_start3A_54 = arith.constant 0 : i32
    %dma_start3A_55 = arith.constant 0 : i32
    %dma_start3A_56 = tpu.memref_slice %arg6[%dma_start3A_54, %dma_start3A_55] : memref<512x128xf32, #tpu.memory_space<vmem>> -> memref<128x128xf32, #tpu.memory_space<vmem>>
    %dma_start3A_57 = arith.constant 0 : i32
    %dma_start3A_58 = tpu.memref_slice %arg5[%dma_start3A_52, %dma_start3A_57] : memref<4x128xi32, #tpu.memory_space<vmem>> -> memref<1x128xi32, #tpu.memory_space<vmem>>
    %dma_start3A_59 = tpu.memref_squeeze %dma_start3A_58 : memref<1x128xi32, #tpu.memory_space<vmem>> -> memref<128xi32, #tpu.memory_space<vmem>>
    %dma_start3A_60 = arith.constant 0 : i32
    %dma_start3A_61 = arith.constant 0 : i32
    %dma_start3A_62 = tpu.memref_slice %arg3[%dma_start3A_60, %dma_start3A_61] : memref<1000000x128xf32, #tpu.memory_space<hbm>> -> memref<1000000x128xf32, #tpu.memory_space<hbm>>
    %dma_start3A_63 = tpu.memref_slice %arg8[%dma_start3A_53] : memref<2x!tpu.dma_semaphore, #tpu.memory_space<semaphore_mem>> -> memref<1x!tpu.dma_semaphore, #tpu.memory_space<semaphore_mem>>
    %dma_start3A_64 = tpu.memref_squeeze %dma_start3A_63 : memref<1x!tpu.dma_semaphore, #tpu.memory_space<semaphore_mem>> -> memref<!tpu.dma_semaphore, #tpu.memory_space<semaphore_mem>>
    tpu.enqueue_indirect_dma source(%dma_start3A_62 : memref<1000000x128xf32, #tpu.memory_space<hbm>>) target(%dma_start3A_56 : memref<128x128xf32, #tpu.memory_space<vmem>>) offsets(%dma_start3A_59 : memref<128xi32, #tpu.memory_space<vmem>>) semaphore(%dma_start3A_64 : memref<!tpu.dma_semaphore, #tpu.memory_space<semaphore_mem>>)
    %dma_start3A_65 = arith.constant 1 : i32
    %dma_start3A_66 = arith.constant 0 : i32
    %dma_start3A_67 = arith.constant 128 : i32
    %dma_start3A_68 = arith.constant 0 : i32
    %dma_start3A_69 = tpu.memref_slice %arg6[%dma_start3A_67, %dma_start3A_68] : memref<512x128xf32, #tpu.memory_space<vmem>> -> memref<128x128xf32, #tpu.memory_space<vmem>>
    %dma_start3A_70 = arith.constant 0 : i32
    %dma_start3A_71 = tpu.memref_slice %arg5[%dma_start3A_65, %dma_start3A_70] : memref<4x128xi32, #tpu.memory_space<vmem>> -> memref<1x128xi32, #tpu.memory_space<vmem>>
    %dma_start3A_72 = tpu.memref_squeeze %dma_start3A_71 : memref<1x128xi32, #tpu.memory_space<vmem>> -> memref<128xi32, #tpu.memory_space<vmem>>
    %dma_start3A_73 = arith.constant 0 : i32
    %dma_start3A_74 = arith.constant 0 : i32
    %dma_start3A_75 = tpu.memref_slice %arg3[%dma_start3A_73, %dma_start3A_74] : memref<1000000x128xf32, #tpu.memory_space<hbm>> -> memref<1000000x128xf32, #tpu.memory_space<hbm>>
    %dma_start3A_76 = tpu.memref_slice %arg8[%dma_start3A_66] : memref<2x!tpu.dma_semaphore, #tpu.memory_space<semaphore_mem>> -> memref<1x!tpu.dma_semaphore, #tpu.memory_space<semaphore_mem>>
    %dma_start3A_77 = tpu.memref_squeeze %dma_start3A_76 : memref<1x!tpu.dma_semaphore, #tpu.memory_space<semaphore_mem>> -> memref<!tpu.dma_semaphore, #tpu.memory_space<semaphore_mem>>
    tpu.enqueue_indirect_dma source(%dma_start3A_75 : memref<1000000x128xf32, #tpu.memory_space<hbm>>) target(%dma_start3A_69 : memref<128x128xf32, #tpu.memory_space<vmem>>) offsets(%dma_start3A_72 : memref<128xi32, #tpu.memory_space<vmem>>) semaphore(%dma_start3A_77 : memref<!tpu.dma_semaphore, #tpu.memory_space<semaphore_mem>>)
    %dma_wait3A_78 = arith.constant 1 : i32
    %dma_wait3A_79 = arith.constant 2 : i32
    %dma_wait3A_80 = arith.constant 0 : i32
    %dma_wait3A_81 = tpu.memref_slice %arg5[%dma_wait3A_79, %dma_wait3A_80] : memref<4x128xi32, #tpu.memory_space<vmem>> -> memref<2x128xi32, #tpu.memory_space<vmem>>
    %dma_wait3A_82 = arith.constant 2 : i32
    %dma_wait3A_83 = arith.constant 0 : i32
    %dma_wait3A_84 = tpu.memref_slice %arg2[%add3A, %dma_wait3A_82, %dma_wait3A_83] : memref<32x4x128xi32, #tpu.memory_space<hbm>> -> memref<1x2x128xi32, #tpu.memory_space<hbm>>
    %dma_wait3A_85 = tpu.memref_squeeze %dma_wait3A_84 : memref<1x2x128xi32, #tpu.memory_space<hbm>> -> memref<2x128xi32, #tpu.memory_space<hbm>>
    %dma_wait3A_86 = tpu.memref_slice %arg7[%dma_wait3A_78] : memref<2x!tpu.dma_semaphore, #tpu.memory_space<semaphore_mem>> -> memref<1x!tpu.dma_semaphore, #tpu.memory_space<semaphore_mem>>
    %dma_wait3A_87 = tpu.memref_squeeze %dma_wait3A_86 : memref<1x!tpu.dma_semaphore, #tpu.memory_space<semaphore_mem>> -> memref<!tpu.dma_semaphore, #tpu.memory_space<semaphore_mem>>
    %dma_wait3A_88 = arith.constant 2 : i32
    %dma_wait3A_89 = arith.constant 0 : i32
    %dma_wait3A_90 = tpu.memref_slice %arg5[%dma_wait3A_88, %dma_wait3A_89] : memref<4x128xi32, #tpu.memory_space<vmem>> -> memref<2x128xi32, #tpu.memory_space<vmem>>
    %dma_wait3A_91 = arith.constant 2 : i32
    %dma_wait3A_92 = arith.constant 0 : i32
    %dma_wait3A_93 = tpu.memref_slice %arg2[%add3A, %dma_wait3A_91, %dma_wait3A_92] : memref<32x4x128xi32, #tpu.memory_space<hbm>> -> memref<1x2x128xi32, #tpu.memory_space<hbm>>
    %dma_wait3A_94 = tpu.memref_squeeze %dma_wait3A_93 : memref<1x2x128xi32, #tpu.memory_space<hbm>> -> memref<2x128xi32, #tpu.memory_space<hbm>>
    tpu.wait_dma2 semaphore(%dma_wait3A_87 : memref<!tpu.dma_semaphore, #tpu.memory_space<semaphore_mem>>) src(%dma_wait3A_94 : memref<2x128xi32, #tpu.memory_space<hbm>>) dst(%dma_wait3A_90 : memref<2x128xi32, #tpu.memory_space<vmem>>)
    %dma_start3A_95 = arith.constant 2 : i32
    %dma_start3A_96 = arith.constant 1 : i32
    %dma_start3A_97 = arith.constant 256 : i32
    %dma_start3A_98 = arith.constant 0 : i32
    %dma_start3A_99 = tpu.memref_slice %arg6[%dma_start3A_97, %dma_start3A_98] : memref<512x128xf32, #tpu.memory_space<vmem>> -> memref<128x128xf32, #tpu.memory_space<vmem>>
    %dma_start3A_100 = arith.constant 0 : i32
    %dma_start3A_101 = tpu.memref_slice %arg5[%dma_start3A_95, %dma_start3A_100] : memref<4x128xi32, #tpu.memory_space<vmem>> -> memref<1x128xi32, #tpu.memory_space<vmem>>
    %dma_start3A_102 = tpu.memref_squeeze %dma_start3A_101 : memref<1x128xi32, #tpu.memory_space<vmem>> -> memref<128xi32, #tpu.memory_space<vmem>>
    %dma_start3A_103 = arith.constant 0 : i32
    %dma_start3A_104 = arith.constant 0 : i32
    %dma_start3A_105 = tpu.memref_slice %arg3[%dma_start3A_103, %dma_start3A_104] : memref<1000000x128xf32, #tpu.memory_space<hbm>> -> memref<1000000x128xf32, #tpu.memory_space<hbm>>
    %dma_start3A_106 = tpu.memref_slice %arg8[%dma_start3A_96] : memref<2x!tpu.dma_semaphore, #tpu.memory_space<semaphore_mem>> -> memref<1x!tpu.dma_semaphore, #tpu.memory_space<semaphore_mem>>
    %dma_start3A_107 = tpu.memref_squeeze %dma_start3A_106 : memref<1x!tpu.dma_semaphore, #tpu.memory_space<semaphore_mem>> -> memref<!tpu.dma_semaphore, #tpu.memory_space<semaphore_mem>>
    tpu.enqueue_indirect_dma source(%dma_start3A_105 : memref<1000000x128xf32, #tpu.memory_space<hbm>>) target(%dma_start3A_99 : memref<128x128xf32, #tpu.memory_space<vmem>>) offsets(%dma_start3A_102 : memref<128xi32, #tpu.memory_space<vmem>>) semaphore(%dma_start3A_107 : memref<!tpu.dma_semaphore, #tpu.memory_space<semaphore_mem>>)
    %dma_start3A_108 = arith.constant 3 : i32
    %dma_start3A_109 = arith.constant 1 : i32
    %dma_start3A_110 = arith.constant 384 : i32
    %dma_start3A_111 = arith.constant 0 : i32
    %dma_start3A_112 = tpu.memref_slice %arg6[%dma_start3A_110, %dma_start3A_111] : memref<512x128xf32, #tpu.memory_space<vmem>> -> memref<128x128xf32, #tpu.memory_space<vmem>>
    %dma_start3A_113 = arith.constant 0 : i32
    %dma_start3A_114 = tpu.memref_slice %arg5[%dma_start3A_108, %dma_start3A_113] : memref<4x128xi32, #tpu.memory_space<vmem>> -> memref<1x128xi32, #tpu.memory_space<vmem>>
    %dma_start3A_115 = tpu.memref_squeeze %dma_start3A_114 : memref<1x128xi32, #tpu.memory_space<vmem>> -> memref<128xi32, #tpu.memory_space<vmem>>
    %dma_start3A_116 = arith.constant 0 : i32
    %dma_start3A_117 = arith.constant 0 : i32
    %dma_start3A_118 = tpu.memref_slice %arg3[%dma_start3A_116, %dma_start3A_117] : memref<1000000x128xf32, #tpu.memory_space<hbm>> -> memref<1000000x128xf32, #tpu.memory_space<hbm>>
    %dma_start3A_119 = tpu.memref_slice %arg8[%dma_start3A_109] : memref<2x!tpu.dma_semaphore, #tpu.memory_space<semaphore_mem>> -> memref<1x!tpu.dma_semaphore, #tpu.memory_space<semaphore_mem>>
    %dma_start3A_120 = tpu.memref_squeeze %dma_start3A_119 : memref<1x!tpu.dma_semaphore, #tpu.memory_space<semaphore_mem>> -> memref<!tpu.dma_semaphore, #tpu.memory_space<semaphore_mem>>
    tpu.enqueue_indirect_dma source(%dma_start3A_118 : memref<1000000x128xf32, #tpu.memory_space<hbm>>) target(%dma_start3A_112 : memref<128x128xf32, #tpu.memory_space<vmem>>) offsets(%dma_start3A_115 : memref<128xi32, #tpu.memory_space<vmem>>) semaphore(%dma_start3A_120 : memref<!tpu.dma_semaphore, #tpu.memory_space<semaphore_mem>>)
    %dma_wait3A_121 = arith.constant 0 : i32
    %dma_wait3A_122 = arith.constant 0 : i32
    %dma_wait3A_123 = arith.constant 0 : i32
    %dma_wait3A_124 = arith.constant 0 : i32
    %dma_wait3A_125 = tpu.memref_slice %arg6[%dma_wait3A_123, %dma_wait3A_124] : memref<512x128xf32, #tpu.memory_space<vmem>> -> memref<128x128xf32, #tpu.memory_space<vmem>>
    %dma_wait3A_126 = arith.constant 0 : i32
    %dma_wait3A_127 = tpu.memref_slice %arg5[%dma_wait3A_121, %dma_wait3A_126] : memref<4x128xi32, #tpu.memory_space<vmem>> -> memref<1x128xi32, #tpu.memory_space<vmem>>
    %dma_wait3A_128 = tpu.memref_squeeze %dma_wait3A_127 : memref<1x128xi32, #tpu.memory_space<vmem>> -> memref<128xi32, #tpu.memory_space<vmem>>
    %dma_wait3A_129 = arith.constant 0 : i32
    %dma_wait3A_130 = arith.constant 0 : i32
    %dma_wait3A_131 = tpu.memref_slice %arg3[%dma_wait3A_129, %dma_wait3A_130] : memref<1000000x128xf32, #tpu.memory_space<hbm>> -> memref<1000000x128xf32, #tpu.memory_space<hbm>>
    %dma_wait3A_132 = tpu.memref_slice %arg8[%dma_wait3A_122] : memref<2x!tpu.dma_semaphore, #tpu.memory_space<semaphore_mem>> -> memref<1x!tpu.dma_semaphore, #tpu.memory_space<semaphore_mem>>
    %dma_wait3A_133 = tpu.memref_squeeze %dma_wait3A_132 : memref<1x!tpu.dma_semaphore, #tpu.memory_space<semaphore_mem>> -> memref<!tpu.dma_semaphore, #tpu.memory_space<semaphore_mem>>
    tpu.wait_indirect_dma semaphore(%dma_wait3A_133 : memref<!tpu.dma_semaphore, #tpu.memory_space<semaphore_mem>>) src(%dma_wait3A_131 : memref<1000000x128xf32, #tpu.memory_space<hbm>>) dst(%dma_wait3A_125 : memref<128x128xf32, #tpu.memory_space<vmem>>)
    %dma_wait3A_134 = arith.constant 1 : i32
    %dma_wait3A_135 = arith.constant 0 : i32
    %dma_wait3A_136 = arith.constant 128 : i32
    %dma_wait3A_137 = arith.constant 0 : i32
    %dma_wait3A_138 = tpu.memref_slice %arg6[%dma_wait3A_136, %dma_wait3A_137] : memref<512x128xf32, #tpu.memory_space<vmem>> -> memref<128x128xf32, #tpu.memory_space<vmem>>
    %dma_wait3A_139 = arith.constant 0 : i32
    %dma_wait3A_140 = tpu.memref_slice %arg5[%dma_wait3A_134, %dma_wait3A_139] : memref<4x128xi32, #tpu.memory_space<vmem>> -> memref<1x128xi32, #tpu.memory_space<vmem>>
    %dma_wait3A_141 = tpu.memref_squeeze %dma_wait3A_140 : memref<1x128xi32, #tpu.memory_space<vmem>> -> memref<128xi32, #tpu.memory_space<vmem>>
    %dma_wait3A_142 = arith.constant 0 : i32
    %dma_wait3A_143 = arith.constant 0 : i32
    %dma_wait3A_144 = tpu.memref_slice %arg3[%dma_wait3A_142, %dma_wait3A_143] : memref<1000000x128xf32, #tpu.memory_space<hbm>> -> memref<1000000x128xf32, #tpu.memory_space<hbm>>
    %dma_wait3A_145 = tpu.memref_slice %arg8[%dma_wait3A_135] : memref<2x!tpu.dma_semaphore, #tpu.memory_space<semaphore_mem>> -> memref<1x!tpu.dma_semaphore, #tpu.memory_space<semaphore_mem>>
    %dma_wait3A_146 = tpu.memref_squeeze %dma_wait3A_145 : memref<1x!tpu.dma_semaphore, #tpu.memory_space<semaphore_mem>> -> memref<!tpu.dma_semaphore, #tpu.memory_space<semaphore_mem>>
    tpu.wait_indirect_dma semaphore(%dma_wait3A_146 : memref<!tpu.dma_semaphore, #tpu.memory_space<semaphore_mem>>) src(%dma_wait3A_144 : memref<1000000x128xf32, #tpu.memory_space<hbm>>) dst(%dma_wait3A_138 : memref<128x128xf32, #tpu.memory_space<vmem>>)
    %add3A_147 = arith.constant 0 : i32
    %add3A_148 = arith.addi %mul3A_2, %add3A_147 : i32
    %dma_start3A_149 = arith.constant 0 : i32
    %dma_start3A_150 = arith.constant 0 : i32
    %dma_start3A_151 = tpu.memref_slice %arg6[%dma_start3A_149, %dma_start3A_150] : memref<512x128xf32, #tpu.memory_space<vmem>> -> memref<256x128xf32, #tpu.memory_space<vmem>>
    %dma_start3A_152 = arith.constant 0 : i32
    %dma_start3A_153 = tpu.memref_slice %arg4[%add3A_148, %dma_start3A_152] : memref<16384x128xf32, #tpu.memory_space<hbm>> -> memref<256x128xf32, #tpu.memory_space<hbm>>
    %dma_start3A_154 = arith.constant 0 : i32
    %dma_start3A_155 = tpu.memref_slice %arg4[%add3A_148, %dma_start3A_154] : memref<16384x128xf32, #tpu.memory_space<hbm>> -> memref<256x128xf32, #tpu.memory_space<hbm>>
    %dma_start3A_156 = arith.constant 0 : i32
    %dma_start3A_157 = arith.constant 0 : i32
    %dma_start3A_158 = tpu.memref_slice %arg6[%dma_start3A_156, %dma_start3A_157] : memref<512x128xf32, #tpu.memory_space<vmem>> -> memref<256x128xf32, #tpu.memory_space<vmem>>
    tpu.enqueue_dma source(%dma_start3A_158 : memref<256x128xf32, #tpu.memory_space<vmem>>) target(%dma_start3A_155 : memref<256x128xf32, #tpu.memory_space<hbm>>) target_semaphore(%arg9 : memref<!tpu.dma_semaphore, #tpu.memory_space<semaphore_mem>>)
    %dma_wait3A_159 = arith.constant 2 : i32
    %dma_wait3A_160 = arith.constant 1 : i32
    %dma_wait3A_161 = arith.constant 256 : i32
    %dma_wait3A_162 = arith.constant 0 : i32
    %dma_wait3A_163 = tpu.memref_slice %arg6[%dma_wait3A_161, %dma_wait3A_162] : memref<512x128xf32, #tpu.memory_space<vmem>> -> memref<128x128xf32, #tpu.memory_space<vmem>>
    %dma_wait3A_164 = arith.constant 0 : i32
    %dma_wait3A_165 = tpu.memref_slice %arg5[%dma_wait3A_159, %dma_wait3A_164] : memref<4x128xi32, #tpu.memory_space<vmem>> -> memref<1x128xi32, #tpu.memory_space<vmem>>
    %dma_wait3A_166 = tpu.memref_squeeze %dma_wait3A_165 : memref<1x128xi32, #tpu.memory_space<vmem>> -> memref<128xi32, #tpu.memory_space<vmem>>
    %dma_wait3A_167 = arith.constant 0 : i32
    %dma_wait3A_168 = arith.constant 0 : i32
    %dma_wait3A_169 = tpu.memref_slice %arg3[%dma_wait3A_167, %dma_wait3A_168] : memref<1000000x128xf32, #tpu.memory_space<hbm>> -> memref<1000000x128xf32, #tpu.memory_space<hbm>>
    %dma_wait3A_170 = tpu.memref_slice %arg8[%dma_wait3A_160] : memref<2x!tpu.dma_semaphore, #tpu.memory_space<semaphore_mem>> -> memref<1x!tpu.dma_semaphore, #tpu.memory_space<semaphore_mem>>
    %dma_wait3A_171 = tpu.memref_squeeze %dma_wait3A_170 : memref<1x!tpu.dma_semaphore, #tpu.memory_space<semaphore_mem>> -> memref<!tpu.dma_semaphore, #tpu.memory_space<semaphore_mem>>
    tpu.wait_indirect_dma semaphore(%dma_wait3A_171 : memref<!tpu.dma_semaphore, #tpu.memory_space<semaphore_mem>>) src(%dma_wait3A_169 : memref<1000000x128xf32, #tpu.memory_space<hbm>>) dst(%dma_wait3A_163 : memref<128x128xf32, #tpu.memory_space<vmem>>)
    %dma_wait3A_172 = arith.constant 3 : i32
    %dma_wait3A_173 = arith.constant 1 : i32
    %dma_wait3A_174 = arith.constant 384 : i32
    %dma_wait3A_175 = arith.constant 0 : i32
    %dma_wait3A_176 = tpu.memref_slice %arg6[%dma_wait3A_174, %dma_wait3A_175] : memref<512x128xf32, #tpu.memory_space<vmem>> -> memref<128x128xf32, #tpu.memory_space<vmem>>
    %dma_wait3A_177 = arith.constant 0 : i32
    %dma_wait3A_178 = tpu.memref_slice %arg5[%dma_wait3A_172, %dma_wait3A_177] : memref<4x128xi32, #tpu.memory_space<vmem>> -> memref<1x128xi32, #tpu.memory_space<vmem>>
    %dma_wait3A_179 = tpu.memref_squeeze %dma_wait3A_178 : memref<1x128xi32, #tpu.memory_space<vmem>> -> memref<128xi32, #tpu.memory_space<vmem>>
    %dma_wait3A_180 = arith.constant 0 : i32
    %dma_wait3A_181 = arith.constant 0 : i32
    %dma_wait3A_182 = tpu.memref_slice %arg3[%dma_wait3A_180, %dma_wait3A_181] : memref<1000000x128xf32, #tpu.memory_space<hbm>> -> memref<1000000x128xf32, #tpu.memory_space<hbm>>
    %dma_wait3A_183 = tpu.memref_slice %arg8[%dma_wait3A_173] : memref<2x!tpu.dma_semaphore, #tpu.memory_space<semaphore_mem>> -> memref<1x!tpu.dma_semaphore, #tpu.memory_space<semaphore_mem>>
    %dma_wait3A_184 = tpu.memref_squeeze %dma_wait3A_183 : memref<1x!tpu.dma_semaphore, #tpu.memory_space<semaphore_mem>> -> memref<!tpu.dma_semaphore, #tpu.memory_space<semaphore_mem>>
    tpu.wait_indirect_dma semaphore(%dma_wait3A_184 : memref<!tpu.dma_semaphore, #tpu.memory_space<semaphore_mem>>) src(%dma_wait3A_182 : memref<1000000x128xf32, #tpu.memory_space<hbm>>) dst(%dma_wait3A_176 : memref<128x128xf32, #tpu.memory_space<vmem>>)
    %add3A_185 = arith.constant 256 : i32
    %add3A_186 = arith.addi %mul3A_2, %add3A_185 : i32
    %dma_start3A_187 = arith.constant 256 : i32
    %dma_start3A_188 = arith.constant 0 : i32
    %dma_start3A_189 = tpu.memref_slice %arg6[%dma_start3A_187, %dma_start3A_188] : memref<512x128xf32, #tpu.memory_space<vmem>> -> memref<256x128xf32, #tpu.memory_space<vmem>>
    %dma_start3A_190 = arith.constant 0 : i32
    %dma_start3A_191 = tpu.memref_slice %arg4[%add3A_186, %dma_start3A_190] : memref<16384x128xf32, #tpu.memory_space<hbm>> -> memref<256x128xf32, #tpu.memory_space<hbm>>
    %dma_start3A_192 = arith.constant 0 : i32
    %dma_start3A_193 = tpu.memref_slice %arg4[%add3A_186, %dma_start3A_192] : memref<16384x128xf32, #tpu.memory_space<hbm>> -> memref<256x128xf32, #tpu.memory_space<hbm>>
    %dma_start3A_194 = arith.constant 256 : i32
    %dma_start3A_195 = arith.constant 0 : i32
    %dma_start3A_196 = tpu.memref_slice %arg6[%dma_start3A_194, %dma_start3A_195] : memref<512x128xf32, #tpu.memory_space<vmem>> -> memref<256x128xf32, #tpu.memory_space<vmem>>
    tpu.enqueue_dma source(%dma_start3A_196 : memref<256x128xf32, #tpu.memory_space<vmem>>) target(%dma_start3A_193 : memref<256x128xf32, #tpu.memory_space<hbm>>) target_semaphore(%arg9 : memref<!tpu.dma_semaphore, #tpu.memory_space<semaphore_mem>>)
    %dma_wait3A_197 = arith.constant 0 : i32
    %dma_wait3A_198 = arith.constant 0 : i32
    %dma_wait3A_199 = tpu.memref_slice %arg6[%dma_wait3A_197, %dma_wait3A_198] : memref<512x128xf32, #tpu.memory_space<vmem>> -> memref<256x128xf32, #tpu.memory_space<vmem>>
    %dma_wait3A_200 = arith.constant 0 : i32
    %dma_wait3A_201 = tpu.memref_slice %arg4[%add3A_148, %dma_wait3A_200] : memref<16384x128xf32, #tpu.memory_space<hbm>> -> memref<256x128xf32, #tpu.memory_space<hbm>>
    %dma_wait3A_202 = arith.constant 0 : i32
    %dma_wait3A_203 = tpu.memref_slice %arg4[%add3A_148, %dma_wait3A_202] : memref<16384x128xf32, #tpu.memory_space<hbm>> -> memref<256x128xf32, #tpu.memory_space<hbm>>
    %dma_wait3A_204 = arith.constant 0 : i32
    %dma_wait3A_205 = arith.constant 0 : i32
    %dma_wait3A_206 = tpu.memref_slice %arg6[%dma_wait3A_204, %dma_wait3A_205] : memref<512x128xf32, #tpu.memory_space<vmem>> -> memref<256x128xf32, #tpu.memory_space<vmem>>
    tpu.wait_dma2 semaphore(%arg9 : memref<!tpu.dma_semaphore, #tpu.memory_space<semaphore_mem>>) src(%dma_wait3A_206 : memref<256x128xf32, #tpu.memory_space<vmem>>) dst(%dma_wait3A_203 : memref<256x128xf32, #tpu.memory_space<hbm>>)
    %dma_wait3A_207 = arith.constant 256 : i32
    %dma_wait3A_208 = arith.constant 0 : i32
    %dma_wait3A_209 = tpu.memref_slice %arg6[%dma_wait3A_207, %dma_wait3A_208] : memref<512x128xf32, #tpu.memory_space<vmem>> -> memref<256x128xf32, #tpu.memory_space<vmem>>
    %dma_wait3A_210 = arith.constant 0 : i32
    %dma_wait3A_211 = tpu.memref_slice %arg4[%add3A_186, %dma_wait3A_210] : memref<16384x128xf32, #tpu.memory_space<hbm>> -> memref<256x128xf32, #tpu.memory_space<hbm>>
    %dma_wait3A_212 = arith.constant 0 : i32
    %dma_wait3A_213 = tpu.memref_slice %arg4[%add3A_186, %dma_wait3A_212] : memref<16384x128xf32, #tpu.memory_space<hbm>> -> memref<256x128xf32, #tpu.memory_space<hbm>>
    %dma_wait3A_214 = arith.constant 256 : i32
    %dma_wait3A_215 = arith.constant 0 : i32
    %dma_wait3A_216 = tpu.memref_slice %arg6[%dma_wait3A_214, %dma_wait3A_215] : memref<512x128xf32, #tpu.memory_space<vmem>> -> memref<256x128xf32, #tpu.memory_space<vmem>>
    tpu.wait_dma2 semaphore(%arg9 : memref<!tpu.dma_semaphore, #tpu.memory_space<semaphore_mem>>) src(%dma_wait3A_216 : memref<256x128xf32, #tpu.memory_space<vmem>>) dst(%dma_wait3A_213 : memref<256x128xf32, #tpu.memory_space<hbm>>)
    return
  }
}

</mosaic_0001>

<sc_bundles>
// kernel: kernel.3.cloned.1.call-start
scs
__scs_entry_jumppad:
0x0: {  	(pc) =	sbr.rel $0x88, $3  }
0x1: {  	(tag) =	ssettag $0x0;
	lr =	simm.s32 $0x1  }
0x2: {  	[smem:$0x3F9F] =	sst lr;
	_ =	strace $0xD0000000  }
0x3: {  	_ = 	snop  }
0x4: {  	_ = 	snop  }
0x5: {  	_ = 	snop  }
0x6: {  	_ = 	snop  }
0x7: {  	_ = 	snop  }
__scs_overlays_trampoline_lowered:
0x8: {  	[smem:$0x3FAE] =	sst s0  }
0x9: {  	[smem:$0x3FAF] =	sst s1  }
0xa: {  	[smem:$0x3FB0] =	sst s2  }
0xb: {  	[smem:$0x3FB1] =	sst s3  }
0xc: {  	[smem:$0x3FB2] =	sst s4  }
0xd: {  	[smem:$0x3FB3] =	sst s5  }
0xe: {  	[smem:$0x3FB4] =	sst s6  }
0xf: {  	[smem:$0x3FB5] =	sst s7  }
0x10: {  	[smem:$0x3FB6] =	sst s8  }
0x11: {  	[smem:$0x3FB7] =	sst s9;
	s0 =	simm.s32 @!p0 $0x0  }
0x12: {  	s1 =	sld [smem:$0x3F9D];
	s0 =	simm.s32 @p0 $0x1  }
0x13: {  	[smem:$0x3FB8] =	sst s0;
	s0 =	simm.s32 @!p1 $0x0  }
0x14: {  	s2 =	sld [smem:$0x3F9C];
	s0 =	simm.s32 @p1 $0x1  }
0x15: {  	[smem:$0x3FB9] =	sst s0;
	s0 =	simm.s32 @!p2 $0x0  }
0x16: {  	s3 =	sld [smem:$0x3FDB];
	s0 =	simm.s32 @p2 $0x1  }
0x17: {  	s4 =	simm.s32 $0x1BF5;
	[smem:$0x3FBB] =	sst s0  }
0x18: {  	s0 =	sld [smem:$0x3F9E];
	_ =	swait.ge [sflag:s4], $0x0  }
0x19: {  	s7 =	sld [smem:$0x3F9F]  }
0x1a: {  	s8 =	sadd.s32 $0xFFFFE003, lr  }
0x1b: {  	s9 =	sadd.s32 $0xFFFFFEF7, lr;
	s5 =	simm.s32 $0xFFFFFFFF;
	p2 =	slt.u32 s8, $0xFFFFF086  }
0x1c: {  	p1 =	slt.u32 s9, $0xF7A;
	s5 =	simm.s32 @!p2 $0x0  }
0x1d: {  	s5 =	simm.s32 @p1 $0x1;
	p0 =	seq.s32 s7, s2  }
0x1e: {  	s7 =	smul.u32 @!p0 $0xF7A, s2;
	p2 =	seq.s32 @!p0 s5, $0x0  }
0x1f: {  	s9 =	smul.u32 $0xF7A, s1;
	s8 =	simm.s32 @!p0 $0x1BF5;
	p2 =	por !p2, p0  }
0x20: {  	[sflag:s8] =	ssyncset.s32 @!p0 $0xFFFFF086;
	s6 =	sadd.s32 @!p0 s3, s7;
	s7 =	simm.s32 @!p0 $0x108  }
0x21: {  	s3 =	sadd.s32 s3, s9;
	s6 =	sadd.s32 @!p0 $0x88, s6;
	s7 =	simm.s32 @p2 $0x1082  }
0x22: {  	[simem:s7], [sflag:s8] =	dma.local @!p0 [hbm:s6], $0xF7A  }
0x23: {  	s9 =	sor.u32 $0xD0000000, s2;
	s6 =	simm.s32 $0x108;
	_ =	swait.ge @!p0 [sflag:s8], $0x0  }
0x24: {  	s3 =	sadd.s32 $0x88, s3;
	s6 =	simm.s32 @!p1 $0x1082;
	[sflag:s4] =	ssyncset.s32 $0xFFFFF086  }
0x25: {  	[simem:s6], [sflag:s4] =	dma.local [hbm:s3], $0xF7A  }
0x26: {  	[smem:$0x3F9F] =	sst s1;
	(tag) =	ssettag s2;
	_ =	strace s9  }
0x27: {  	s1 =	sld [smem:$0x3FAF]  }
0x28: {  	s2 =	sld [smem:$0x3FB0]  }
0x29: {  	s4 =	sld [smem:$0x3FB2]  }
0x2a: {  	p0 =	seq.s32 s5, $0x0;
	s5 =	sld [smem:$0x3FB3]  }
0x2b: {  	s6 =	sld [smem:$0x3FB4]  }
0x2c: {  	s7 =	sld [smem:$0x3FB5]  }
0x2d: {  	s3 =	simm.s32 $0x108;
	s8 =	sld [smem:$0x3FB6]  }
0x2e: {  	s3 =	simm.s32 @!p0 $0x1082;
	s9 =	sld [smem:$0x3FB7]  }
0x2f: {  	lr =	sadd.s32 s0, s3;
	s0 =	sld [smem:$0x3FAE]  }
0x30: {  	s3 =	sld [smem:$0x3FB1]  }
0x31: {  	[smem:$0x3FBA] =	sst s10  }
0x32: {  	s10 =	sld [smem:$0x3FB8];
	_ =	sdelay $0x3  }
0x33: {  	p0 =	seq.s32 s10, $0x1;
	s10 =	sld [smem:$0x3FBA];
	_ =	sdelay $0x3  }
0x34: {  	[smem:$0x3FBA] =	sst s10  }
0x35: {  	s10 =	sld [smem:$0x3FB9];
	_ =	sdelay $0x3  }
0x36: {  	p1 =	seq.s32 s10, $0x1;
	s10 =	sld [smem:$0x3FBA];
	_ =	sdelay $0x3  }
0x37: {  	[smem:$0x3FBA] =	sst s10  }
0x38: {  	s10 =	sld [smem:$0x3FBB]  }
0x39: {  	_ = 	snop;
	(pc) =	sbr.ind lr, $3  }
0x3a: {  	_ = 	snop  }
0x3b: {  	_ = 	snop  }
0x3c: {  	p2 =	seq.s32 s10, $0x1;
	s10 =	sld [smem:$0x3FBA]  }
0x3d: {  	_ =	shalt  }
0x3e: {  	_ =	shalt  }
0x3f: {  	_ =	shalt  }
0x40: {  	_ =	shalt  }
0x41: {  	_ =	shalt  }
0x42: {  	_ =	shalt  }
0x43: {  	_ =	shalt  }
0x44: {  	_ =	shalt  }
0x45: {  	_ =	shalt  }
0x46: {  	_ =	shalt  }
0x47: {  	_ =	shalt  }
0x48: {  	_ =	shalt  }
0x49: {  	_ =	shalt  }
0x4a: {  	_ =	shalt  }
0x4b: {  	_ =	shalt  }
0x4c: {  	_ =	shalt  }
0x4d: {  	_ =	shalt  }
0x4e: {  	_ =	shalt  }
0x4f: {  	_ =	shalt  }
0x50: {  	_ =	shalt  }
0x51: {  	_ =	shalt  }
0x52: {  	_ =	shalt  }
0x53: {  	_ =	shalt  }
0x54: {  	_ =	shalt  }
0x55: {  	_ =	shalt  }
0x56: {  	_ =	shalt  }
0x57: {  	_ =	shalt  }
0x58: {  	_ =	shalt  }
0x59: {  	_ =	shalt  }
0x5a: {  	_ =	shalt  }
0x5b: {  	_ =	shalt  }
0x5c: {  	_ =	shalt  }
0x5d: {  	_ =	shalt  }
0x5e: {  	_ =	shalt  }
0x5f: {  	_ =	shalt  }
0x60: {  	_ =	shalt  }
0x61: {  	_ =	shalt  }
0x62: {  	_ =	shalt  }
0x63: {  	_ =	shalt  }
0x64: {  	_ =	shalt  }
0x65: {  	_ =	shalt  }
0x66: {  	_ =	shalt  }
0x67: {  	_ =	shalt  }
0x68: {  	_ =	shalt  }
0x69: {  	_ =	shalt  }
0x6a: {  	_ =	shalt  }
0x6b: {  	_ =	shalt  }
0x6c: {  	_ =	shalt  }
0x6d: {  	_ =	shalt  }
0x6e: {  	_ =	shalt  }
0x6f: {  	_ =	shalt  }
0x70: {  	_ =	shalt  }
0x71: {  	_ =	shalt  }
0x72: {  	_ =	shalt  }
0x73: {  	_ =	shalt  }
0x74: {  	_ =	shalt  }
0x75: {  	_ =	shalt  }
0x76: {  	_ =	shalt  }
0x77: {  	_ =	shalt  }
0x78: {  	_ =	shalt  }
0x79: {  	_ =	shalt  }
0x7a: {  	_ =	shalt  }
0x7b: {  	_ =	shalt  }
0x7c: {  	_ =	shalt  }
0x7d: {  	_ =	shalt  }
0x7e: {  	_ =	shalt  }
0x7f: {  	_ =	shalt  }
0x80: {  	_ =	shalt  }
0x81: {  	_ =	shalt  }
0x82: {  	_ =	shalt  }
0x83: {  	_ =	shalt  }
0x84: {  	_ =	shalt  }
0x85: {  	_ =	shalt  }
0x86: {  	_ =	shalt  }
0x87: {  	_ =	shalt  }
.Lfunc_end0:
.L_simem_size_0:
called_computation_lowered:
.L_overlay_start_0:
0x88: {  	s2 =	sld [smem:$0x3FD9]  }
0x89: {  	s3 =	sld [smem:$0x3FFE];
	_ =	sdelay $0x1  }
0x8a: {  	s1 =	srdreg.scid  }
0x8b: {  	s0 =	sand.u32 $0x1, s1  }
0x8c: {  	s18 =	sshll.u32 s0, $0xA;
	s2 =	sadd.s32 s3, s2  }
0x8d: {  	s2 =	sadd.s32 s2, s18  }
0x8e: {  	[smem:$0x3FC6] =	sst s2  }
0x8f: {  	_ = 	snop  }
0x90: {  	s2 =	sld [smem:$0x3FC9]  }
0x91: {  	s19 =	sld [smem:$0x3FC8]  }
0x92: {  	s4 =	sld [smem:$0x3FD0];
	(tm) =	ssettm $0x1  }
0x93: {  	s5 =	sld [smem:$0x3FFB];
	_ =	sdelay $0x3  }
0x94: {  	_ =	strace s5  }
0x95: {  	s5 =	sld [smem:$0x3FFC];
	_ =	sdelay $0x3  }
0x96: {  	_ =	strace s5  }
0x97: {  	s5 =	sld [smem:$0x3FFD];
	_ =	sdelay $0x3  }
0x98: {  	_ =	strace s5  }
0x99: {  	_ =	strace $0x8FFFFFFF  }
0x9a: {  	s20 =	sld [smem:$0x3FDB];
	_ =	sdelay $0x1  }
0x9b: {  	s6 =	simm.s32 $_scs_section_size  }
0x9c: {  	s7 =	simm.s32 $_size__tile_overlayer_lowered;
	s8 =	simm.s32 $_tile_overlayer_lowered  }
0x9d: {  	s23 =	simm.s32 $0x1BFF;
	s22 =	sshll.u32 s8, $0x1;
	s5 =	sadd.s32 s6, s20  }
0x9e: {  	s9 =	simm.s32 $0x0;
	s21 =	sshll.u32 s7, $0x1;
	s7 =	sadd.s32 s22, s5  }
0x9f: {  	[timem:s9], [sflag:s23] =	dma.local [hbm:s7], s21  }
0xa0: {  	_ =	swait.ge [sflag:s23], s21  }
0xa1: {  	s6 =	ssub.s32 $0x0, s21;
	[sflag:s23] =	ssyncset.done $0x0  }
0xa2: {  	[sflag:s23] =	ssyncadd.s32 s6;
	_ =	sdelay $0x1  }
0xa3: {  	s24 =	simm.s32 $0x1B8B  }
0xa4: {  	_ =	swait.ge [sflag:s24], $0x1  }
0xa5: {  	[sflag:s24] =	ssyncset.done $0x0  }
0xa6: {  	s25 =	simm.s32 $0x1B8E;
	[sflag:s24] =	ssyncadd.s32 $0xFFFFFFFF  }
0xa7: {  	s26 =	simm.s32 $execute0_lowered;
	[smem:$0x3FD2] =	sst s25  }
0xa8: {  	s6 =	sshll.u32 s26, $0x1;
	_ =	strace $0x80000046;
	[dreg:$0x1] =	wrdreg $0xFFFFFFFF  }
0xa9: {  	s28 =	simm.s32 $_size_execute0_lowered;
	s5 =	sadd.s32 s5, s6;
	[dreg:$0x0] =	wrdreg $0x0  }
0xaa: {  	s6 =	sshll.u32 s28, $0x1;
	[dreg:$0x2] =	wrdreg s5  }
0xab: {  	[dreg:$0x3] =	wrdreg s6  }
0xac: {  	[dreg:$0x4] =	wrdreg $0xC0  }
0xad: {  	_ =	task [dreg:s9], $0x5FFFF  }
0xae: {  	[dreg:$0x1] =	wrdreg $0xFFFFFFFF  }
0xaf: {  	[dreg:$0x0] =	wrdreg $0x60  }
0xb0: {  	[dreg:$0x2] =	wrdreg s2  }
0xb1: {  	[dreg:$0x3] =	wrdreg s19  }
0xb2: {  	[dreg:$0x4] =	wrdreg s4  }
0xb3: {  	[dreg:$0x5] =	wrdreg $0x9  }
0xb4: {  	_ =	task.clear_ibuf [dreg:s9], $0x6FFFF;
	_ =	strace $0x90000046  }
0xb5: {  	s29 =	simm.s32 $0x9;
	_ =	strace $0x80000048  }
0xb6: {  	_ =	swait.ge [sflag:s29], $0x1  }
0xb7: {  	[sflag:s29] =	ssyncadd.s32 $0xFFFFFFFF  }
0xb8: {  	_ =	strace $0x90000048  }
0xb9: {  	_ =	sfence  }
0xba: {  	s30 =	sld [smem:$0x0];
	_ =	sdelay $0x2  }
0xbb: {  	s31 =	sshll.u32 s1, $0xD;
	s1 =	sshrl.u32 s1, $0x2  }
0xbc: {  	s3 =	sand.u32 $0x4000, s31;
	s1 =	sadd.s32 s1, s30  }
0xbd: {  	s0 =	sor.u32 s3, s0;
	s1 =	sshll.u32 s1, $0x11  }
0xbe: {  	s0 =	sor.u32 s1, s0  }
0xbf: {  	s0 =	sadd.s32 $0x8F2B, s0  }
0xc0: {  	[sflag:s0] =	ssyncadd.remote.s32 $0x1  }
0xc1: {  	_ =	sfence.sel $0xFFFF  }
0xc2: {  	[dreg:$0x0] =	wrdreg $0xFFFFFFFF;
	(pc) =	sbr.abs _section_cstart, $3  }
0xc3: {  	[dreg:$0x1] =	wrdreg $0xFFFFFFFF  }
0xc4: {  	_ =	task.clear_ibuf [dreg:s9], $0x2FFFF;
	_ =	strace $0x9FFFFFFF  }
0xc5: {  	(tm) =	ssettm $0x7FFFFFFF  }
tec
execute0_lowered:
.L_overlay_start_1:
0x0: {  	(tag) =	ssettag $0x1  }
0x1: {  	s5 =	rddreg [dreg:$0x0];
	s1 =	srdreg.scid  }
0x2: {  	s2 =	rddreg [dreg:$0x1];
	s0 =	stileid.u32;
	s18 =	sand.u32 $0x1, s1  }
0x3: {  	s19 =	rddreg [dreg:$0x2];
	s4 =	sshll.u32 s0, $0xA;
	s6 =	sshll.u32 s18, $0x9  }
0x4: {  	s3 =	simm.s32 $0x0;
	s1 =	rddreg [dreg:$0x3];
	s16 =	sor.u32 s6, s4  }
0x5: {  	[smem:$0x7FF] =	sst s3;
	s4 =	sshrl.u32 s16, $0x3;
	s20 =	sor.u32 $0x100, s16  }
0x6: {  	_ =	strace $0x80000047;
	s4 =	sadd.s32 s5, s4;
	s29 =	sshrl.u32 s20, $0x3  }
0x7: {  	[tilespmem:s3], [sflag:$0x1] =	stream.linear.gather [hbm4b:s4+s3], $0x100, $0x38;
	[tilespmem:$0x10200] =	vst v63  }
0x8: {  	s7 =	simm.s32 $0x1;
	s6 =	simm.s32 $0x100;
	s5 =	sadd.s32 s5, s29  }
0x9: {  	[tilespmem:s6], [sflag:$0x2] =	stream.linear.gather [hbm4b:s5+s3], $0x100, $0x38;
	[tilespmem:$0x10200] =	vst v63  }
0xa: {  	_ =	swait.ge [sflag:s7], $0x100  }
0xb: {  	[sflag:s7] =	ssyncset.done $0x0  }
0xc: {  	s8 =	simm.s32 $0x80;
	s9 =	simm.s32 $0x200;
	[sflag:s7] =	ssyncadd.s32 $0xFFFFFF00  }
0xd: {  	[tilespmem:s9], [sflag:$0x3] =	stream.indirect.gather [hbm4b:s2+s8], $0x80, s3, s8, $0xb8;
	[tilespmem:$0x10200] =	vst v63  }
0xe: {  	s10 =	simm.s32 $0x4200;
	s11 =	simm.s32 $0x2  }
0xf: {  	[tilespmem:s10], [sflag:$0x3] =	stream.indirect.gather [hbm4b:s2+s8], $0x80, s8, s8, $0xb8;
	[tilespmem:$0x10200] =	vst v63  }
0x10: {  	_ =	swait.ge [sflag:s11], $0x100  }
0x11: {  	[sflag:s11] =	ssyncset.done $0x0  }
0x12: {  	s12 =	simm.s32 $0x8200;
	[sflag:s11] =	ssyncadd.s32 $0xFFFFFF00  }
0x13: {  	[tilespmem:s12], [sflag:$0x4] =	stream.indirect.gather [hbm4b:s2+s8], $0x80, s6, s8, $0xb8;
	[tilespmem:$0x10200] =	vst v63  }
0x14: {  	s13 =	simm.s32 $0x180;
	s14 =	simm.s32 $0xC200;
	s15 =	simm.s32 $0x3  }
0x15: {  	[tilespmem:s14], [sflag:$0x4] =	stream.indirect.gather [hbm4b:s2+s8], $0x80, s13, s8, $0xb8;
	[tilespmem:$0x10200] =	vst v63  }
0x16: {  	_ =	swait.ge [sflag:s15], $0x4000  }
0x17: {  	[sflag:s15] =	ssyncset.done $0x0  }
0x18: {  	[sflag:s15] =	ssyncadd.s32 $0xFFFFC000  }
0x19: {  	_ =	swait.ge [sflag:s15], $0x4000  }
0x1a: {  	s16 =	sshll.u32 s16, $0x4;
	[sflag:s15] =	ssyncset.done $0x0  }
0x1b: {  	s17 =	simm.s32 $0x4;
	s16 =	sadd.s32 s19, s16;
	[sflag:s15] =	ssyncadd.s32 $0xFFFFC000  }
0x1c: {  	[hbm4b:s16+s3] =	stream.linear.scatter [tilespmem:s9], [sflag:$0x5], $0x8000, $0x38;
	[tilespmem:$0x10200] =	vst v63  }
0x1d: {  	_ =	swait.ge [sflag:s17], $0x4000  }
0x1e: {  	s21 =	ssub.s32 $0x2, s18;
	[sflag:s17] =	ssyncset.done $0x0  }
0x1f: {  	s31 =	sshrl.u32 s21, $0x1;
	[sflag:s17] =	ssyncadd.s32 $0xFFFFC000  }
0x20: {  	s30 =	sshll.u32 s20, $0x4;
	s20 =	ssub.s32 s21, s31;
	_ =	swait.ge [sflag:s17], $0x4000  }
0x21: {  	s18 =	simm.s32 $0x5;
	s20 =	smax.u32 s20, $0x1;
	[sflag:s17] =	ssyncset.done $0x0  }
0x22: {  	s19 =	sadd.s32 s19, s30;
	p0 =	sne.s32 s20, $0x1;
	[sflag:s17] =	ssyncadd.s32 $0xFFFFC000  }
0x23: {  	[hbm4b:s19+s3] =	stream.linear.scatter [tilespmem:s12], [sflag:$0x5], $0x8000, $0x38;
	[tilespmem:$0x10200] =	vst v63  }
.Ltmp0:
0x24: {  	_ =	swait.ge [sflag:s18], $0x8000;
	(pc) =	sbr.rel @!p0 .LBB2_2-.Ltmp0, $4  }
0x25: {  	[sflag:s18] =	ssyncset.done $0x0  }
0x26: {  	[sflag:s18] =	ssyncadd.s32 $0xFFFF8000  }
0x27: {  	_ =	swait.ge [sflag:s18], $0x8000  }
0x28: {  	s20 =	sadd.s32 $0xFFFFFFFF, s20;
	[sflag:s18] =	ssyncset.done $0x0  }
.LBB2_1:
0x29: {  	p0 =	sne.s32 s20, $0x1;
	s20 =	sadd.s32 $0xFFFFFFFF, s20;
	[sflag:s18] =	ssyncadd.s32 $0xFFFF8000  }
0x2a: {  	[tilespmem:s3], [sflag:$0x1] =	stream.linear.gather [hbm4b:s4+s3], $0x100, $0x38;
	[tilespmem:$0x10200] =	vst v63  }
0x2b: {  	_ = 	snop  }
0x2c: {  	[tilespmem:s6], [sflag:$0x2] =	stream.linear.gather [hbm4b:s5+s3], $0x100, $0x38;
	[tilespmem:$0x10200] =	vst v63  }
0x2d: {  	_ =	swait.ge [sflag:s7], $0x100  }
0x2e: {  	[sflag:s7] =	ssyncset.done $0x0  }
0x2f: {  	[sflag:s7] =	ssyncadd.s32 $0xFFFFFF00  }
0x30: {  	[tilespmem:s9], [sflag:$0x3] =	stream.indirect.gather [hbm4b:s2+s8], $0x80, s3, s8, $0xb8;
	[tilespmem:$0x10200] =	vst v63  }
0x31: {  	_ = 	snop  }
0x32: {  	[tilespmem:s10], [sflag:$0x3] =	stream.indirect.gather [hbm4b:s2+s8], $0x80, s8, s8, $0xb8;
	[tilespmem:$0x10200] =	vst v63  }
0x33: {  	_ =	swait.ge [sflag:s11], $0x100  }
0x34: {  	[sflag:s11] =	ssyncset.done $0x0  }
0x35: {  	[sflag:s11] =	ssyncadd.s32 $0xFFFFFF00  }
0x36: {  	[tilespmem:s12], [sflag:$0x4] =	stream.indirect.gather [hbm4b:s2+s8], $0x80, s6, s8, $0xb8;
	[tilespmem:$0x10200] =	vst v63  }
0x37: {  	_ = 	snop  }
0x38: {  	[tilespmem:s14], [sflag:$0x4] =	stream.indirect.gather [hbm4b:s2+s8], $0x80, s13, s8, $0xb8;
	[tilespmem:$0x10200] =	vst v63  }
0x39: {  	_ =	swait.ge [sflag:s15], $0x4000  }
0x3a: {  	[sflag:s15] =	ssyncset.done $0x0  }
0x3b: {  	[sflag:s15] =	ssyncadd.s32 $0xFFFFC000  }
0x3c: {  	_ =	swait.ge [sflag:s15], $0x4000  }
0x3d: {  	[sflag:s15] =	ssyncset.done $0x0  }
0x3e: {  	[sflag:s15] =	ssyncadd.s32 $0xFFFFC000  }
0x3f: {  	[hbm4b:s16+s3] =	stream.linear.scatter [tilespmem:s9], [sflag:$0x5], $0x8000, $0x38;
	[tilespmem:$0x10200] =	vst v63  }
0x40: {  	_ =	swait.ge [sflag:s17], $0x4000  }
0x41: {  	[sflag:s17] =	ssyncset.done $0x0  }
0x42: {  	[sflag:s17] =	ssyncadd.s32 $0xFFFFC000  }
0x43: {  	_ =	swait.ge [sflag:s17], $0x4000  }
0x44: {  	[sflag:s17] =	ssyncset.done $0x0  }
0x45: {  	[sflag:s17] =	ssyncadd.s32 $0xFFFFC000  }
0x46: {  	[hbm4b:s19+s3] =	stream.linear.scatter [tilespmem:s12], [sflag:$0x5], $0x8000, $0x38;
	[tilespmem:$0x10200] =	vst v63  }
.Ltmp1:
0x47: {  	_ =	swait.ge [sflag:s18], $0x8000;
	(pc) =	sbr.rel @p0 .LBB2_1-.Ltmp1, $4  }
0x48: {  	[sflag:s18] =	ssyncset.done $0x0  }
0x49: {  	[sflag:s18] =	ssyncadd.s32 $0xFFFF8000  }
0x4a: {  	_ =	swait.ge [sflag:s18], $0x8000  }
0x4b: {  	[sflag:s18] =	ssyncset.done $0x0  }
.LBB2_2:
0x4c: {  	[sflag:s18] =	ssyncadd.s32 $0xFFFF8000  }
0x4d: {  	_ =	sfence.sel $0x180000  }
0x4e: {  	[bflag:$0x0] =	sbarrier.arrive $0xFFFF  }
0x4f: {  	p0 =	sne.s32 s0, $0x0;
	_ =	strace $0x90000047  }
0x50: {  	s0 =	sadd.s32 @!p0 $0x100000, s1;
	[bflag:$0x2] =	sbarrier.arrive $0xFFFF  }
0x51: {  	[sflag:s0] =	ssyncadd.tile.s32 @!p0 $0x1;
	_ =	shalt  }
.Lfunc_end2:
_tile_overlayer_lowered:
.L_overlay_start_2:
0x52: {  	(tag) =	ssettag $0x2  }
0x53: {  	s0 =	rddreg [dreg:$0x0];
	s2 =	stileid.u32  }
0x54: {  	s1 =	rddreg [dreg:$0x1];
	p0 =	sne.s32 s2, $0x0  }
0x55: {  	s3 =	rddreg [dreg:$0x2];
	[bflag:$0x3] =	sbarrier.arrive $0xFFFF;
	s2 =	simm.s32 @!p0 $0x1C06  }
0x56: {  	[timem:s3], [sflag:s2] =	dma.local @!p0 [hbm:s0], s1  }
0x57: {  	s0 =	simm.s32 @!p0 $0x6  }
0x58: {  	_ =	swait.ge @!p0 [sflag:s0], s1  }
0x59: {  	s1 =	ssub.s32 @!p0 $0x0, s1;
	[sflag:s0] =	ssyncset.done @!p0 $0x0  }
0x5a: {  	[sflag:s0] =	ssyncadd.s32 @!p0 s1  }
0x5b: {  	[bflag:$0x3] =	sbarrier.arrive $0xFFFF  }
0x5c: {  	_ =	shalt  }

</sc_bundles>
